<compile_context>
chip_gen: v7x
topology: tpu7x:2x2x1
jax: 0.10.2.dev20260603
libtpu: 0.0.44.dev20260713+nightly
codegen_flags: <defaults>
</compile_context>

<pallas_src>
import functools

import jax
import jax.numpy as jnp
from jax import lax
from jax.experimental import pallas as pl
from jax.experimental.pallas import tpu as pltpu
from jax.experimental.pallas import tpu_sc as plsc

_NC = 2
_NS = 16
_NW = _NC * _NS
_L = 16


@functools.cache
def _build_sc_gather_dot(B, E):
    bpw = B // _NW
    n16 = bpw // _L
    ne = E // _L
    mesh = plsc.VectorSubcoreMesh(core_axis_name="c", subcore_axis_name="s")

    @functools.partial(
        pl.kernel,
        mesh=mesh,
        compiler_params=pltpu.CompilerParams(
            use_tc_tiling_on_sc=False,
            disable_bounds_checks=True,
            disable_semaphore_checks=True,
        ),
        out_type=(
            jax.ShapeDtypeStruct((_NW, _L), jnp.float32),
            jax.ShapeDtypeStruct((B,), jnp.float32),
        ),
        scratch_types=[
            pltpu.VMEM((bpw,), jnp.int32),
            pltpu.VMEM((bpw,), jnp.int32),
            pltpu.VMEM((bpw, E), jnp.float32),
            pltpu.VMEM((bpw, E), jnp.float32),
            pltpu.VMEM((bpw,), jnp.float32),
            pltpu.VMEM((bpw,), jnp.float32),
            pltpu.VMEM((bpw,), jnp.float32),
            pltpu.VMEM((_L,), jnp.float32),
            pltpu.SemaphoreType.DMA,
        ],
    )
    def sc_kernel(uid_hbm, mid_hbm, uemb_hbm, ubias_hbm, memb_hbm, mbias_hbm,
                  part_hbm, bsum_hbm,
                  uidx_v, midx_v, urows_v, mrows_v, ub_v, mb_v,
                  bsum_v, pacc_v, sem):
        wid = lax.axis_index("s") * _NC + lax.axis_index("c")
        base = wid * bpw
        pltpu.sync_copy(uid_hbm.at[pl.ds(base, bpw)], uidx_v)
        pltpu.sync_copy(mid_hbm.at[pl.ds(base, bpw)], midx_v)

        nck = bpw // 128
        row_copies = []
        bias_copies = []
        for k in range(nck):
            s128 = pl.ds(k * 128, 128)
            row_copies.append(pltpu.async_copy(
                uemb_hbm.at[uidx_v.at[s128]], urows_v.at[s128, :], sem))
            row_copies.append(pltpu.async_copy(
                memb_hbm.at[midx_v.at[s128]], mrows_v.at[s128, :], sem))
            bias_copies.append(pltpu.async_copy(
                ubias_hbm.at[uidx_v.at[s128]], ub_v.at[s128], sem))
            bias_copies.append(pltpu.async_copy(
                mbias_hbm.at[midx_v.at[s128]], mb_v.at[s128], sem))

        for c in bias_copies:
            c.wait()

        def bstep(i, c):
            s = pl.ds(i * _L, _L)
            bsum_v[s] = ub_v[s] + mb_v[s]
            return c

        lax.fori_loop(0, n16, bstep, 0)
        pltpu.sync_copy(bsum_v, bsum_hbm.at[pl.ds(base, bpw)])

        for c in row_copies:
            c.wait()

        zero = jnp.zeros((_L,), jnp.float32)

        def dotstep(j, accs):
            out = []
            for h in range(ne):
                u = urows_v[j, pl.ds(h * _L, _L)]
                m = mrows_v[j, pl.ds(h * _L, _L)]
                out.append(accs[h] + u * m)
            return tuple(out)

        accs = lax.fori_loop(0, bpw, dotstep, (zero,) * ne)
        total = accs[0]
        for h in range(1, ne):
            total = total + accs[h]
        pacc_v[...] = total
        pltpu.sync_copy(pacc_v, part_hbm.at[wid])

    return sc_kernel


def _finish_body(part_ref, bias_ref, out_ref):
    total = jnp.sum(part_ref[...])
    out_ref[...] = jax.nn.sigmoid(bias_ref[...] + total)


def kernel(inputs, user_embedding, user_bias, movie_embedding, movie_bias):
    B = inputs.shape[0]
    U, E = user_embedding.shape
    M = movie_embedding.shape[0]
    sc = _build_sc_gather_dot(B, E)
    part, bsum = sc(inputs[:, 0], inputs[:, 1], user_embedding,
                    user_bias.reshape(U), movie_embedding, movie_bias.reshape(M))
    rows = 128
    cols = B // rows
    out = pl.pallas_call(
        _finish_body,
        out_shape=jax.ShapeDtypeStruct((rows, cols), jnp.float32),
    )(part, bsum.reshape(rows, cols))
    return out.reshape(B, 1)

# --- scband reference (transcript-rebuilt; emitter-appended) ---
"""Pipeline reference for scband-recommender-net-11184094839388 (READ-ONLY COPY).

The authoritative reference and input builder live on the scoring server;
editing this copy changes nothing except your own understanding.
"""

import jax, jax.numpy as jnp
import numpy as np

NUM_USERS = 1000000
NUM_MOVIES = 1000000
EMBED = 32
BATCH = 16384

def setup_inputs(seed: int = 0) -> dict:
    key = jax.random.key(seed)
    k1, k2, k3 = jax.random.split(key, 3)
    inputs = jax.random.randint(k1, (BATCH, 2), 0, NUM_USERS, dtype=jnp.int32)
    # he_normal initializer: stddev = sqrt(2 / fan_in); for Embedding fan_in = embedding_size
    std = np.sqrt(2.0 / EMBED)
    user_embedding = jax.random.normal(k2, (NUM_USERS, EMBED), dtype=jnp.float32) * std
    movie_embedding = jax.random.normal(k3, (NUM_MOVIES, EMBED), dtype=jnp.float32) * std
    user_bias = jnp.zeros((NUM_USERS, 1), dtype=jnp.float32)
    movie_bias = jnp.zeros((NUM_MOVIES, 1), dtype=jnp.float32)
    return {
        "inputs": inputs,
        "user_embedding": user_embedding,
        "user_bias": user_bias,
        "movie_embedding": movie_embedding,
        "movie_bias": movie_bias,
    }

def reference(inputs, user_embedding, user_bias, movie_embedding, movie_bias):
    user_idx = inputs[:, 0]
    movie_idx = inputs[:, 1]
    user_vector = jnp.take(user_embedding, user_idx, axis=0)      # [B, E]
    ub = jnp.take(user_bias, user_idx, axis=0)                    # [B, 1]
    movie_vector = jnp.take(movie_embedding, movie_idx, axis=0)   # [B, E]
    mb = jnp.take(movie_bias, movie_idx, axis=0)                  # [B, 1]
    # NOTE: faithful to the original code, tf.tensordot(u, m, 2) contracts
    # BOTH axes (batch and embedding), producing a scalar.
    dot_user_movie = jnp.tensordot(user_vector, movie_vector, 2)  # scalar
    x = dot_user_movie + ub + mb                                   # [B, 1] via broadcast
    return jax.nn.sigmoid(x)

if __name__ == "__main__":
    import jax
    _d = setup_inputs()
    print(jax.jit(kernel)(*tuple(_d.values())))

</pallas_src>

<mosaic_0001>
#map = affine_map<(d0, d1) -> (0)>
#map1 = affine_map<(d0, d1) -> (0, 0)>
module attributes {stable_mosaic.version = 14 : i64} {
  func.func @sc_kernel(%arg0: i32, %arg1: i32, %arg2: memref<16384xi32, #tpu.memory_space<hbm>>, %arg3: memref<16384xi32, #tpu.memory_space<hbm>>, %arg4: memref<1000000x32xf32, #tpu.memory_space<hbm>>, %arg5: memref<1000000xf32, #tpu.memory_space<hbm>>, %arg6: memref<1000000x32xf32, #tpu.memory_space<hbm>>, %arg7: memref<1000000xf32, #tpu.memory_space<hbm>>, %arg8: memref<32x16xf32, #tpu.memory_space<hbm>>, %arg9: memref<16384xf32, #tpu.memory_space<hbm>>, %arg10: memref<512xi32, #tpu.memory_space<vmem>>, %arg11: memref<512xi32, #tpu.memory_space<vmem>>, %arg12: memref<512x32xf32, #tpu.memory_space<vmem>>, %arg13: memref<512x32xf32, #tpu.memory_space<vmem>>, %arg14: memref<512xf32, #tpu.memory_space<vmem>>, %arg15: memref<512xf32, #tpu.memory_space<vmem>>, %arg16: memref<512xf32, #tpu.memory_space<vmem>>, %arg17: memref<16xf32, #tpu.memory_space<vmem>>, %arg18: memref<!tpu.dma_semaphore, #tpu.memory_space<semaphore_mem>>) attributes {dimension_semantics = [#tpu.dimension_semantics<core_parallel>, #tpu.dimension_semantics<subcore_parallel>], iteration_bounds = array<i64: 2, 16>, scalar_prefetch = 0 : i64, scratch_operands = 9 : i64, tpu.core_type = #tpu.core_type<sc_vector_subcore>, window_params = [{transform_indices = #map}, {transform_indices = #map}, {transform_indices = #map1}, {transform_indices = #map}, {transform_indices = #map1}, {transform_indices = #map}, {transform_indices = #map1}, {transform_indices = #map}]} {
    %mul3A = arith.constant 2 : i32
    %mul3A_0 = arith.muli %arg1, %mul3A : i32
    %add3A = arith.addi %mul3A_0, %arg0 : i32
    %mul3A_1 = arith.constant 512 : i32
    %mul3A_2 = arith.muli %add3A, %mul3A_1 : i32
    "tpu.region"() ({
      %run_scoped3A = tpu.sem_alloc : memref<!tpu.dma_semaphore, #tpu.memory_space<semaphore_mem>>
      %dma_start3A_241 = tpu.memref_slice %arg2[%mul3A_2] : memref<16384xi32, #tpu.memory_space<hbm>> -> memref<512xi32, #tpu.memory_space<hbm>>
      %dma_start3A_242 = tpu.memref_slice %arg2[%mul3A_2] : memref<16384xi32, #tpu.memory_space<hbm>> -> memref<512xi32, #tpu.memory_space<hbm>>
      tpu.enqueue_dma source(%dma_start3A_242 : memref<512xi32, #tpu.memory_space<hbm>>) target(%arg10 : memref<512xi32, #tpu.memory_space<vmem>>) target_semaphore(%run_scoped3A : memref<!tpu.dma_semaphore, #tpu.memory_space<semaphore_mem>>)
      %dma_wait3A_243 = tpu.memref_slice %arg2[%mul3A_2] : memref<16384xi32, #tpu.memory_space<hbm>> -> memref<512xi32, #tpu.memory_space<hbm>>
      %dma_wait3A_244 = tpu.memref_slice %arg2[%mul3A_2] : memref<16384xi32, #tpu.memory_space<hbm>> -> memref<512xi32, #tpu.memory_space<hbm>>
      tpu.wait_dma2 semaphore(%run_scoped3A : memref<!tpu.dma_semaphore, #tpu.memory_space<semaphore_mem>>) src(%dma_wait3A_244 : memref<512xi32, #tpu.memory_space<hbm>>) dst(%arg10 : memref<512xi32, #tpu.memory_space<vmem>>)
      tpu.yield
    }) : () -> ()
    "tpu.region"() ({
      %run_scoped3A = tpu.sem_alloc : memref<!tpu.dma_semaphore, #tpu.memory_space<semaphore_mem>>
      %dma_start3A_241 = tpu.memref_slice %arg3[%mul3A_2] : memref<16384xi32, #tpu.memory_space<hbm>> -> memref<512xi32, #tpu.memory_space<hbm>>
      %dma_start3A_242 = tpu.memref_slice %arg3[%mul3A_2] : memref<16384xi32, #tpu.memory_space<hbm>> -> memref<512xi32, #tpu.memory_space<hbm>>
      tpu.enqueue_dma source(%dma_start3A_242 : memref<512xi32, #tpu.memory_space<hbm>>) target(%arg11 : memref<512xi32, #tpu.memory_space<vmem>>) target_semaphore(%run_scoped3A : memref<!tpu.dma_semaphore, #tpu.memory_space<semaphore_mem>>)
      %dma_wait3A_243 = tpu.memref_slice %arg3[%mul3A_2] : memref<16384xi32, #tpu.memory_space<hbm>> -> memref<512xi32, #tpu.memory_space<hbm>>
      %dma_wait3A_244 = tpu.memref_slice %arg3[%mul3A_2] : memref<16384xi32, #tpu.memory_space<hbm>> -> memref<512xi32, #tpu.memory_space<hbm>>
      tpu.wait_dma2 semaphore(%run_scoped3A : memref<!tpu.dma_semaphore, #tpu.memory_space<semaphore_mem>>) src(%dma_wait3A_244 : memref<512xi32, #tpu.memory_space<hbm>>) dst(%arg11 : memref<512xi32, #tpu.memory_space<vmem>>)
      tpu.yield
    }) : () -> ()
    %dma_start3A = arith.constant 0 : i32
    %dma_start3A_3 = arith.constant 0 : i32
    %dma_start3A_4 = tpu.memref_slice %arg12[%dma_start3A, %dma_start3A_3] : memref<512x32xf32, #tpu.memory_space<vmem>> -> memref<128x32xf32, #tpu.memory_space<vmem>>
    %dma_start3A_5 = arith.constant 0 : i32
    %dma_start3A_6 = tpu.memref_slice %arg10[%dma_start3A_5] : memref<512xi32, #tpu.memory_space<vmem>> -> memref<128xi32, #tpu.memory_space<vmem>>
    %dma_start3A_7 = arith.constant 0 : i32
    %dma_start3A_8 = arith.constant 0 : i32
    %dma_start3A_9 = tpu.memref_slice %arg4[%dma_start3A_7, %dma_start3A_8] : memref<1000000x32xf32, #tpu.memory_space<hbm>> -> memref<1000000x32xf32, #tpu.memory_space<hbm>>
    tpu.enqueue_indirect_dma source(%dma_start3A_9 : memref<1000000x32xf32, #tpu.memory_space<hbm>>) target(%dma_start3A_4 : memref<128x32xf32, #tpu.memory_space<vmem>>) offsets(%dma_start3A_6 : memref<128xi32, #tpu.memory_space<vmem>>) semaphore(%arg18 : memref<!tpu.dma_semaphore, #tpu.memory_space<semaphore_mem>>)
    %dma_start3A_10 = arith.constant 0 : i32
    %dma_start3A_11 = arith.constant 0 : i32
    %dma_start3A_12 = tpu.memref_slice %arg13[%dma_start3A_10, %dma_start3A_11] : memref<512x32xf32, #tpu.memory_space<vmem>> -> memref<128x32xf32, #tpu.memory_space<vmem>>
    %dma_start3A_13 = arith.constant 0 : i32
    %dma_start3A_14 = tpu.memref_slice %arg11[%dma_start3A_13] : memref<512xi32, #tpu.memory_space<vmem>> -> memref<128xi32, #tpu.memory_space<vmem>>
    %dma_start3A_15 = arith.constant 0 : i32
    %dma_start3A_16 = arith.constant 0 : i32
    %dma_start3A_17 = tpu.memref_slice %arg6[%dma_start3A_15, %dma_start3A_16] : memref<1000000x32xf32, #tpu.memory_space<hbm>> -> memref<1000000x32xf32, #tpu.memory_space<hbm>>
    tpu.enqueue_indirect_dma source(%dma_start3A_17 : memref<1000000x32xf32, #tpu.memory_space<hbm>>) target(%dma_start3A_12 : memref<128x32xf32, #tpu.memory_space<vmem>>) offsets(%dma_start3A_14 : memref<128xi32, #tpu.memory_space<vmem>>) semaphore(%arg18 : memref<!tpu.dma_semaphore, #tpu.memory_space<semaphore_mem>>)
    %dma_start3A_18 = arith.constant 0 : i32
    %dma_start3A_19 = tpu.memref_slice %arg14[%dma_start3A_18] : memref<512xf32, #tpu.memory_space<vmem>> -> memref<128xf32, #tpu.memory_space<vmem>>
    %dma_start3A_20 = arith.constant 0 : i32
    %dma_start3A_21 = tpu.memref_slice %arg10[%dma_start3A_20] : memref<512xi32, #tpu.memory_space<vmem>> -> memref<128xi32, #tpu.memory_space<vmem>>
    %dma_start3A_22 = arith.constant 0 : i32
    %dma_start3A_23 = tpu.memref_slice %arg5[%dma_start3A_22] : memref<1000000xf32, #tpu.memory_space<hbm>> -> memref<1000000xf32, #tpu.memory_space<hbm>>
    tpu.enqueue_indirect_dma source(%dma_start3A_23 : memref<1000000xf32, #tpu.memory_space<hbm>>) target(%dma_start3A_19 : memref<128xf32, #tpu.memory_space<vmem>>) offsets(%dma_start3A_21 : memref<128xi32, #tpu.memory_space<vmem>>) semaphore(%arg18 : memref<!tpu.dma_semaphore, #tpu.memory_space<semaphore_mem>>)
    %dma_start3A_24 = arith.constant 0 : i32
    %dma_start3A_25 = tpu.memref_slice %arg15[%dma_start3A_24] : memref<512xf32, #tpu.memory_space<vmem>> -> memref<128xf32, #tpu.memory_space<vmem>>
    %dma_start3A_26 = arith.constant 0 : i32
    %dma_start3A_27 = tpu.memref_slice %arg11[%dma_start3A_26] : memref<512xi32, #tpu.memory_space<vmem>> -> memref<128xi32, #tpu.memory_space<vmem>>
    %dma_start3A_28 = arith.constant 0 : i32
    %dma_start3A_29 = tpu.memref_slice %arg7[%dma_start3A_28] : memref<1000000xf32, #tpu.memory_space<hbm>> -> memref<1000000xf32, #tpu.memory_space<hbm>>
    tpu.enqueue_indirect_dma source(%dma_start3A_29 : memref<1000000xf32, #tpu.memory_space<hbm>>) target(%dma_start3A_25 : memref<128xf32, #tpu.memory_space<vmem>>) offsets(%dma_start3A_27 : memref<128xi32, #tpu.memory_space<vmem>>) semaphore(%arg18 : memref<!tpu.dma_semaphore, #tpu.memory_space<semaphore_mem>>)
    %dma_start3A_30 = arith.constant 128 : i32
    %dma_start3A_31 = arith.constant 0 : i32
    %dma_start3A_32 = tpu.memref_slice %arg12[%dma_start3A_30, %dma_start3A_31] : memref<512x32xf32, #tpu.memory_space<vmem>> -> memref<128x32xf32, #tpu.memory_space<vmem>>
    %dma_start3A_33 = arith.constant 128 : i32
    %dma_start3A_34 = tpu.memref_slice %arg10[%dma_start3A_33] : memref<512xi32, #tpu.memory_space<vmem>> -> memref<128xi32, #tpu.memory_space<vmem>>
    %dma_start3A_35 = arith.constant 0 : i32
    %dma_start3A_36 = arith.constant 0 : i32
    %dma_start3A_37 = tpu.memref_slice %arg4[%dma_start3A_35, %dma_start3A_36] : memref<1000000x32xf32, #tpu.memory_space<hbm>> -> memref<1000000x32xf32, #tpu.memory_space<hbm>>
    tpu.enqueue_indirect_dma source(%dma_start3A_37 : memref<1000000x32xf32, #tpu.memory_space<hbm>>) target(%dma_start3A_32 : memref<128x32xf32, #tpu.memory_space<vmem>>) offsets(%dma_start3A_34 : memref<128xi32, #tpu.memory_space<vmem>>) semaphore(%arg18 : memref<!tpu.dma_semaphore, #tpu.memory_space<semaphore_mem>>)
    %dma_start3A_38 = arith.constant 128 : i32
    %dma_start3A_39 = arith.constant 0 : i32
    %dma_start3A_40 = tpu.memref_slice %arg13[%dma_start3A_38, %dma_start3A_39] : memref<512x32xf32, #tpu.memory_space<vmem>> -> memref<128x32xf32, #tpu.memory_space<vmem>>
    %dma_start3A_41 = arith.constant 128 : i32
    %dma_start3A_42 = tpu.memref_slice %arg11[%dma_start3A_41] : memref<512xi32, #tpu.memory_space<vmem>> -> memref<128xi32, #tpu.memory_space<vmem>>
    %dma_start3A_43 = arith.constant 0 : i32
    %dma_start3A_44 = arith.constant 0 : i32
    %dma_start3A_45 = tpu.memref_slice %arg6[%dma_start3A_43, %dma_start3A_44] : memref<1000000x32xf32, #tpu.memory_space<hbm>> -> memref<1000000x32xf32, #tpu.memory_space<hbm>>
    tpu.enqueue_indirect_dma source(%dma_start3A_45 : memref<1000000x32xf32, #tpu.memory_space<hbm>>) target(%dma_start3A_40 : memref<128x32xf32, #tpu.memory_space<vmem>>) offsets(%dma_start3A_42 : memref<128xi32, #tpu.memory_space<vmem>>) semaphore(%arg18 : memref<!tpu.dma_semaphore, #tpu.memory_space<semaphore_mem>>)
    %dma_start3A_46 = arith.constant 128 : i32
    %dma_start3A_47 = tpu.memref_slice %arg14[%dma_start3A_46] : memref<512xf32, #tpu.memory_space<vmem>> -> memref<128xf32, #tpu.memory_space<vmem>>
    %dma_start3A_48 = arith.constant 128 : i32
    %dma_start3A_49 = tpu.memref_slice %arg10[%dma_start3A_48] : memref<512xi32, #tpu.memory_space<vmem>> -> memref<128xi32, #tpu.memory_space<vmem>>
    %dma_start3A_50 = arith.constant 0 : i32
    %dma_start3A_51 = tpu.memref_slice %arg5[%dma_start3A_50] : memref<1000000xf32, #tpu.memory_space<hbm>> -> memref<1000000xf32, #tpu.memory_space<hbm>>
    tpu.enqueue_indirect_dma source(%dma_start3A_51 : memref<1000000xf32, #tpu.memory_space<hbm>>) target(%dma_start3A_47 : memref<128xf32, #tpu.memory_space<vmem>>) offsets(%dma_start3A_49 : memref<128xi32, #tpu.memory_space<vmem>>) semaphore(%arg18 : memref<!tpu.dma_semaphore, #tpu.memory_space<semaphore_mem>>)
    %dma_start3A_52 = arith.constant 128 : i32
    %dma_start3A_53 = tpu.memref_slice %arg15[%dma_start3A_52] : memref<512xf32, #tpu.memory_space<vmem>> -> memref<128xf32, #tpu.memory_space<vmem>>
    %dma_start3A_54 = arith.constant 128 : i32
    %dma_start3A_55 = tpu.memref_slice %arg11[%dma_start3A_54] : memref<512xi32, #tpu.memory_space<vmem>> -> memref<128xi32, #tpu.memory_space<vmem>>
    %dma_start3A_56 = arith.constant 0 : i32
    %dma_start3A_57 = tpu.memref_slice %arg7[%dma_start3A_56] : memref<1000000xf32, #tpu.memory_space<hbm>> -> memref<1000000xf32, #tpu.memory_space<hbm>>
    tpu.enqueue_indirect_dma source(%dma_start3A_57 : memref<1000000xf32, #tpu.memory_space<hbm>>) target(%dma_start3A_53 : memref<128xf32, #tpu.memory_space<vmem>>) offsets(%dma_start3A_55 : memref<128xi32, #tpu.memory_space<vmem>>) semaphore(%arg18 : memref<!tpu.dma_semaphore, #tpu.memory_space<semaphore_mem>>)
    %dma_start3A_58 = arith.constant 256 : i32
    %dma_start3A_59 = arith.constant 0 : i32
    %dma_start3A_60 = tpu.memref_slice %arg12[%dma_start3A_58, %dma_start3A_59] : memref<512x32xf32, #tpu.memory_space<vmem>> -> memref<128x32xf32, #tpu.memory_space<vmem>>
    %dma_start3A_61 = arith.constant 256 : i32
    %dma_start3A_62 = tpu.memref_slice %arg10[%dma_start3A_61] : memref<512xi32, #tpu.memory_space<vmem>> -> memref<128xi32, #tpu.memory_space<vmem>>
    %dma_start3A_63 = arith.constant 0 : i32
    %dma_start3A_64 = arith.constant 0 : i32
    %dma_start3A_65 = tpu.memref_slice %arg4[%dma_start3A_63, %dma_start3A_64] : memref<1000000x32xf32, #tpu.memory_space<hbm>> -> memref<1000000x32xf32, #tpu.memory_space<hbm>>
    tpu.enqueue_indirect_dma source(%dma_start3A_65 : memref<1000000x32xf32, #tpu.memory_space<hbm>>) target(%dma_start3A_60 : memref<128x32xf32, #tpu.memory_space<vmem>>) offsets(%dma_start3A_62 : memref<128xi32, #tpu.memory_space<vmem>>) semaphore(%arg18 : memref<!tpu.dma_semaphore, #tpu.memory_space<semaphore_mem>>)
    %dma_start3A_66 = arith.constant 256 : i32
    %dma_start3A_67 = arith.constant 0 : i32
    %dma_start3A_68 = tpu.memref_slice %arg13[%dma_start3A_66, %dma_start3A_67] : memref<512x32xf32, #tpu.memory_space<vmem>> -> memref<128x32xf32, #tpu.memory_space<vmem>>
    %dma_start3A_69 = arith.constant 256 : i32
    %dma_start3A_70 = tpu.memref_slice %arg11[%dma_start3A_69] : memref<512xi32, #tpu.memory_space<vmem>> -> memref<128xi32, #tpu.memory_space<vmem>>
    %dma_start3A_71 = arith.constant 0 : i32
    %dma_start3A_72 = arith.constant 0 : i32
    %dma_start3A_73 = tpu.memref_slice %arg6[%dma_start3A_71, %dma_start3A_72] : memref<1000000x32xf32, #tpu.memory_space<hbm>> -> memref<1000000x32xf32, #tpu.memory_space<hbm>>
    tpu.enqueue_indirect_dma source(%dma_start3A_73 : memref<1000000x32xf32, #tpu.memory_space<hbm>>) target(%dma_start3A_68 : memref<128x32xf32, #tpu.memory_space<vmem>>) offsets(%dma_start3A_70 : memref<128xi32, #tpu.memory_space<vmem>>) semaphore(%arg18 : memref<!tpu.dma_semaphore, #tpu.memory_space<semaphore_mem>>)
    %dma_start3A_74 = arith.constant 256 : i32
    %dma_start3A_75 = tpu.memref_slice %arg14[%dma_start3A_74] : memref<512xf32, #tpu.memory_space<vmem>> -> memref<128xf32, #tpu.memory_space<vmem>>
    %dma_start3A_76 = arith.constant 256 : i32
    %dma_start3A_77 = tpu.memref_slice %arg10[%dma_start3A_76] : memref<512xi32, #tpu.memory_space<vmem>> -> memref<128xi32, #tpu.memory_space<vmem>>
    %dma_start3A_78 = arith.constant 0 : i32
    %dma_start3A_79 = tpu.memref_slice %arg5[%dma_start3A_78] : memref<1000000xf32, #tpu.memory_space<hbm>> -> memref<1000000xf32, #tpu.memory_space<hbm>>
    tpu.enqueue_indirect_dma source(%dma_start3A_79 : memref<1000000xf32, #tpu.memory_space<hbm>>) target(%dma_start3A_75 : memref<128xf32, #tpu.memory_space<vmem>>) offsets(%dma_start3A_77 : memref<128xi32, #tpu.memory_space<vmem>>) semaphore(%arg18 : memref<!tpu.dma_semaphore, #tpu.memory_space<semaphore_mem>>)
    %dma_start3A_80 = arith.constant 256 : i32
    %dma_start3A_81 = tpu.memref_slice %arg15[%dma_start3A_80] : memref<512xf32, #tpu.memory_space<vmem>> -> memref<128xf32, #tpu.memory_space<vmem>>
    %dma_start3A_82 = arith.constant 256 : i32
    %dma_start3A_83 = tpu.memref_slice %arg11[%dma_start3A_82] : memref<512xi32, #tpu.memory_space<vmem>> -> memref<128xi32, #tpu.memory_space<vmem>>
    %dma_start3A_84 = arith.constant 0 : i32
    %dma_start3A_85 = tpu.memref_slice %arg7[%dma_start3A_84] : memref<1000000xf32, #tpu.memory_space<hbm>> -> memref<1000000xf32, #tpu.memory_space<hbm>>
    tpu.enqueue_indirect_dma source(%dma_start3A_85 : memref<1000000xf32, #tpu.memory_space<hbm>>) target(%dma_start3A_81 : memref<128xf32, #tpu.memory_space<vmem>>) offsets(%dma_start3A_83 : memref<128xi32, #tpu.memory_space<vmem>>) semaphore(%arg18 : memref<!tpu.dma_semaphore, #tpu.memory_space<semaphore_mem>>)
    %dma_start3A_86 = arith.constant 384 : i32
    %dma_start3A_87 = arith.constant 0 : i32
    %dma_start3A_88 = tpu.memref_slice %arg12[%dma_start3A_86, %dma_start3A_87] : memref<512x32xf32, #tpu.memory_space<vmem>> -> memref<128x32xf32, #tpu.memory_space<vmem>>
    %dma_start3A_89 = arith.constant 384 : i32
    %dma_start3A_90 = tpu.memref_slice %arg10[%dma_start3A_89] : memref<512xi32, #tpu.memory_space<vmem>> -> memref<128xi32, #tpu.memory_space<vmem>>
    %dma_start3A_91 = arith.constant 0 : i32
    %dma_start3A_92 = arith.constant 0 : i32
    %dma_start3A_93 = tpu.memref_slice %arg4[%dma_start3A_91, %dma_start3A_92] : memref<1000000x32xf32, #tpu.memory_space<hbm>> -> memref<1000000x32xf32, #tpu.memory_space<hbm>>
    tpu.enqueue_indirect_dma source(%dma_start3A_93 : memref<1000000x32xf32, #tpu.memory_space<hbm>>) target(%dma_start3A_88 : memref<128x32xf32, #tpu.memory_space<vmem>>) offsets(%dma_start3A_90 : memref<128xi32, #tpu.memory_space<vmem>>) semaphore(%arg18 : memref<!tpu.dma_semaphore, #tpu.memory_space<semaphore_mem>>)
    %dma_start3A_94 = arith.constant 384 : i32
    %dma_start3A_95 = arith.constant 0 : i32
    %dma_start3A_96 = tpu.memref_slice %arg13[%dma_start3A_94, %dma_start3A_95] : memref<512x32xf32, #tpu.memory_space<vmem>> -> memref<128x32xf32, #tpu.memory_space<vmem>>
    %dma_start3A_97 = arith.constant 384 : i32
    %dma_start3A_98 = tpu.memref_slice %arg11[%dma_start3A_97] : memref<512xi32, #tpu.memory_space<vmem>> -> memref<128xi32, #tpu.memory_space<vmem>>
    %dma_start3A_99 = arith.constant 0 : i32
    %dma_start3A_100 = arith.constant 0 : i32
    %dma_start3A_101 = tpu.memref_slice %arg6[%dma_start3A_99, %dma_start3A_100] : memref<1000000x32xf32, #tpu.memory_space<hbm>> -> memref<1000000x32xf32, #tpu.memory_space<hbm>>
    tpu.enqueue_indirect_dma source(%dma_start3A_101 : memref<1000000x32xf32, #tpu.memory_space<hbm>>) target(%dma_start3A_96 : memref<128x32xf32, #tpu.memory_space<vmem>>) offsets(%dma_start3A_98 : memref<128xi32, #tpu.memory_space<vmem>>) semaphore(%arg18 : memref<!tpu.dma_semaphore, #tpu.memory_space<semaphore_mem>>)
    %dma_start3A_102 = arith.constant 384 : i32
    %dma_start3A_103 = tpu.memref_slice %arg14[%dma_start3A_102] : memref<512xf32, #tpu.memory_space<vmem>> -> memref<128xf32, #tpu.memory_space<vmem>>
    %dma_start3A_104 = arith.constant 384 : i32
    %dma_start3A_105 = tpu.memref_slice %arg10[%dma_start3A_104] : memref<512xi32, #tpu.memory_space<vmem>> -> memref<128xi32, #tpu.memory_space<vmem>>
    %dma_start3A_106 = arith.constant 0 : i32
    %dma_start3A_107 = tpu.memref_slice %arg5[%dma_start3A_106] : memref<1000000xf32, #tpu.memory_space<hbm>> -> memref<1000000xf32, #tpu.memory_space<hbm>>
    tpu.enqueue_indirect_dma source(%dma_start3A_107 : memref<1000000xf32, #tpu.memory_space<hbm>>) target(%dma_start3A_103 : memref<128xf32, #tpu.memory_space<vmem>>) offsets(%dma_start3A_105 : memref<128xi32, #tpu.memory_space<vmem>>) semaphore(%arg18 : memref<!tpu.dma_semaphore, #tpu.memory_space<semaphore_mem>>)
    %dma_start3A_108 = arith.constant 384 : i32
    %dma_start3A_109 = tpu.memref_slice %arg15[%dma_start3A_108] : memref<512xf32, #tpu.memory_space<vmem>> -> memref<128xf32, #tpu.memory_space<vmem>>
    %dma_start3A_110 = arith.constant 384 : i32
    %dma_start3A_111 = tpu.memref_slice %arg11[%dma_start3A_110] : memref<512xi32, #tpu.memory_space<vmem>> -> memref<128xi32, #tpu.memory_space<vmem>>
    %dma_start3A_112 = arith.constant 0 : i32
    %dma_start3A_113 = tpu.memref_slice %arg7[%dma_start3A_112] : memref<1000000xf32, #tpu.memory_space<hbm>> -> memref<1000000xf32, #tpu.memory_space<hbm>>
    tpu.enqueue_indirect_dma source(%dma_start3A_113 : memref<1000000xf32, #tpu.memory_space<hbm>>) target(%dma_start3A_109 : memref<128xf32, #tpu.memory_space<vmem>>) offsets(%dma_start3A_111 : memref<128xi32, #tpu.memory_space<vmem>>) semaphore(%arg18 : memref<!tpu.dma_semaphore, #tpu.memory_space<semaphore_mem>>)
    %dma_wait3A = arith.constant 0 : i32
    %dma_wait3A_114 = tpu.memref_slice %arg14[%dma_wait3A] : memref<512xf32, #tpu.memory_space<vmem>> -> memref<128xf32, #tpu.memory_space<vmem>>
    %dma_wait3A_115 = arith.constant 0 : i32
    %dma_wait3A_116 = tpu.memref_slice %arg10[%dma_wait3A_115] : memref<512xi32, #tpu.memory_space<vmem>> -> memref<128xi32, #tpu.memory_space<vmem>>
    %dma_wait3A_117 = arith.constant 0 : i32
    %dma_wait3A_118 = tpu.memref_slice %arg5[%dma_wait3A_117] : memref<1000000xf32, #tpu.memory_space<hbm>> -> memref<1000000xf32, #tpu.memory_space<hbm>>
    tpu.wait_indirect_dma semaphore(%arg18 : memref<!tpu.dma_semaphore, #tpu.memory_space<semaphore_mem>>) src(%dma_wait3A_118 : memref<1000000xf32, #tpu.memory_space<hbm>>) dst(%dma_wait3A_114 : memref<128xf32, #tpu.memory_space<vmem>>)
    %dma_wait3A_119 = arith.constant 0 : i32
    %dma_wait3A_120 = tpu.memref_slice %arg15[%dma_wait3A_119] : memref<512xf32, #tpu.memory_space<vmem>> -> memref<128xf32, #tpu.memory_space<vmem>>
    %dma_wait3A_121 = arith.constant 0 : i32
    %dma_wait3A_122 = tpu.memref_slice %arg11[%dma_wait3A_121] : memref<512xi32, #tpu.memory_space<vmem>> -> memref<128xi32, #tpu.memory_space<vmem>>
    %dma_wait3A_123 = arith.constant 0 : i32
    %dma_wait3A_124 = tpu.memref_slice %arg7[%dma_wait3A_123] : memref<1000000xf32, #tpu.memory_space<hbm>> -> memref<1000000xf32, #tpu.memory_space<hbm>>
    tpu.wait_indirect_dma semaphore(%arg18 : memref<!tpu.dma_semaphore, #tpu.memory_space<semaphore_mem>>) src(%dma_wait3A_124 : memref<1000000xf32, #tpu.memory_space<hbm>>) dst(%dma_wait3A_120 : memref<128xf32, #tpu.memory_space<vmem>>)
    %dma_wait3A_125 = arith.constant 128 : i32
    %dma_wait3A_126 = tpu.memref_slice %arg14[%dma_wait3A_125] : memref<512xf32, #tpu.memory_space<vmem>> -> memref<128xf32, #tpu.memory_space<vmem>>
    %dma_wait3A_127 = arith.constant 128 : i32
    %dma_wait3A_128 = tpu.memref_slice %arg10[%dma_wait3A_127] : memref<512xi32, #tpu.memory_space<vmem>> -> memref<128xi32, #tpu.memory_space<vmem>>
    %dma_wait3A_129 = arith.constant 0 : i32
    %dma_wait3A_130 = tpu.memref_slice %arg5[%dma_wait3A_129] : memref<1000000xf32, #tpu.memory_space<hbm>> -> memref<1000000xf32, #tpu.memory_space<hbm>>
    tpu.wait_indirect_dma semaphore(%arg18 : memref<!tpu.dma_semaphore, #tpu.memory_space<semaphore_mem>>) src(%dma_wait3A_130 : memref<1000000xf32, #tpu.memory_space<hbm>>) dst(%dma_wait3A_126 : memref<128xf32, #tpu.memory_space<vmem>>)
    %dma_wait3A_131 = arith.constant 128 : i32
    %dma_wait3A_132 = tpu.memref_slice %arg15[%dma_wait3A_131] : memref<512xf32, #tpu.memory_space<vmem>> -> memref<128xf32, #tpu.memory_space<vmem>>
    %dma_wait3A_133 = arith.constant 128 : i32
    %dma_wait3A_134 = tpu.memref_slice %arg11[%dma_wait3A_133] : memref<512xi32, #tpu.memory_space<vmem>> -> memref<128xi32, #tpu.memory_space<vmem>>
    %dma_wait3A_135 = arith.constant 0 : i32
    %dma_wait3A_136 = tpu.memref_slice %arg7[%dma_wait3A_135] : memref<1000000xf32, #tpu.memory_space<hbm>> -> memref<1000000xf32, #tpu.memory_space<hbm>>
    tpu.wait_indirect_dma semaphore(%arg18 : memref<!tpu.dma_semaphore, #tpu.memory_space<semaphore_mem>>) src(%dma_wait3A_136 : memref<1000000xf32, #tpu.memory_space<hbm>>) dst(%dma_wait3A_132 : memref<128xf32, #tpu.memory_space<vmem>>)
    %dma_wait3A_137 = arith.constant 256 : i32
    %dma_wait3A_138 = tpu.memref_slice %arg14[%dma_wait3A_137] : memref<512xf32, #tpu.memory_space<vmem>> -> memref<128xf32, #tpu.memory_space<vmem>>
    %dma_wait3A_139 = arith.constant 256 : i32
    %dma_wait3A_140 = tpu.memref_slice %arg10[%dma_wait3A_139] : memref<512xi32, #tpu.memory_space<vmem>> -> memref<128xi32, #tpu.memory_space<vmem>>
    %dma_wait3A_141 = arith.constant 0 : i32
    %dma_wait3A_142 = tpu.memref_slice %arg5[%dma_wait3A_141] : memref<1000000xf32, #tpu.memory_space<hbm>> -> memref<1000000xf32, #tpu.memory_space<hbm>>
    tpu.wait_indirect_dma semaphore(%arg18 : memref<!tpu.dma_semaphore, #tpu.memory_space<semaphore_mem>>) src(%dma_wait3A_142 : memref<1000000xf32, #tpu.memory_space<hbm>>) dst(%dma_wait3A_138 : memref<128xf32, #tpu.memory_space<vmem>>)
    %dma_wait3A_143 = arith.constant 256 : i32
    %dma_wait3A_144 = tpu.memref_slice %arg15[%dma_wait3A_143] : memref<512xf32, #tpu.memory_space<vmem>> -> memref<128xf32, #tpu.memory_space<vmem>>
    %dma_wait3A_145 = arith.constant 256 : i32
    %dma_wait3A_146 = tpu.memref_slice %arg11[%dma_wait3A_145] : memref<512xi32, #tpu.memory_space<vmem>> -> memref<128xi32, #tpu.memory_space<vmem>>
    %dma_wait3A_147 = arith.constant 0 : i32
    %dma_wait3A_148 = tpu.memref_slice %arg7[%dma_wait3A_147] : memref<1000000xf32, #tpu.memory_space<hbm>> -> memref<1000000xf32, #tpu.memory_space<hbm>>
    tpu.wait_indirect_dma semaphore(%arg18 : memref<!tpu.dma_semaphore, #tpu.memory_space<semaphore_mem>>) src(%dma_wait3A_148 : memref<1000000xf32, #tpu.memory_space<hbm>>) dst(%dma_wait3A_144 : memref<128xf32, #tpu.memory_space<vmem>>)
    %dma_wait3A_149 = arith.constant 384 : i32
    %dma_wait3A_150 = tpu.memref_slice %arg14[%dma_wait3A_149] : memref<512xf32, #tpu.memory_space<vmem>> -> memref<128xf32, #tpu.memory_space<vmem>>
    %dma_wait3A_151 = arith.constant 384 : i32
    %dma_wait3A_152 = tpu.memref_slice %arg10[%dma_wait3A_151] : memref<512xi32, #tpu.memory_space<vmem>> -> memref<128xi32, #tpu.memory_space<vmem>>
    %dma_wait3A_153 = arith.constant 0 : i32
    %dma_wait3A_154 = tpu.memref_slice %arg5[%dma_wait3A_153] : memref<1000000xf32, #tpu.memory_space<hbm>> -> memref<1000000xf32, #tpu.memory_space<hbm>>
    tpu.wait_indirect_dma semaphore(%arg18 : memref<!tpu.dma_semaphore, #tpu.memory_space<semaphore_mem>>) src(%dma_wait3A_154 : memref<1000000xf32, #tpu.memory_space<hbm>>) dst(%dma_wait3A_150 : memref<128xf32, #tpu.memory_space<vmem>>)
    %dma_wait3A_155 = arith.constant 384 : i32
    %dma_wait3A_156 = tpu.memref_slice %arg15[%dma_wait3A_155] : memref<512xf32, #tpu.memory_space<vmem>> -> memref<128xf32, #tpu.memory_space<vmem>>
    %dma_wait3A_157 = arith.constant 384 : i32
    %dma_wait3A_158 = tpu.memref_slice %arg11[%dma_wait3A_157] : memref<512xi32, #tpu.memory_space<vmem>> -> memref<128xi32, #tpu.memory_space<vmem>>
    %dma_wait3A_159 = arith.constant 0 : i32
    %dma_wait3A_160 = tpu.memref_slice %arg7[%dma_wait3A_159] : memref<1000000xf32, #tpu.memory_space<hbm>> -> memref<1000000xf32, #tpu.memory_space<hbm>>
    tpu.wait_indirect_dma semaphore(%arg18 : memref<!tpu.dma_semaphore, #tpu.memory_space<semaphore_mem>>) src(%dma_wait3A_160 : memref<1000000xf32, #tpu.memory_space<hbm>>) dst(%dma_wait3A_156 : memref<128xf32, #tpu.memory_space<vmem>>)
    %scan3A = arith.constant 0 : i32
    %scan3A_161 = arith.constant 0 : i32
    %scan3A_162 = arith.constant 32 : i32
    %scan3A_163 = arith.addi %scan3A_161, %scan3A_162 : i32
    %scan3A_164 = arith.constant 1 : i32
    scf.for %scan3A_241 = %scan3A_161 to %scan3A_163 step %scan3A_164  : i32 {
      %mul3A_242 = arith.constant 16 : i32
      %mul3A_243 = arith.muli %scan3A_241, %mul3A_242 : i32
      %get3A = arith.index_cast %mul3A_243 : i32 to index
      %get3A_244 = tpu.vector_load %arg14[%get3A] {strides = array<i32>} : memref<512xf32, #tpu.memory_space<vmem>>, vector<16xf32>,
      %get3A_245 = vector.shape_cast %get3A_244 : vector<16xf32> to vector<16xf32>
      %get3A_246 = arith.index_cast %mul3A_243 : i32 to index
      %get3A_247 = tpu.vector_load %arg15[%get3A_246] {strides = array<i32>} : memref<512xf32, #tpu.memory_space<vmem>>, vector<16xf32>,
      %get3A_248 = vector.shape_cast %get3A_247 : vector<16xf32> to vector<16xf32>
      %add3A_249 = arith.addf %get3A_245, %get3A_248 : vector<16xf32>
      %swap3A_250 = arith.index_cast %mul3A_243 : i32 to index
      %swap3A_251 = tpu.vector_load %arg16[%swap3A_250] {strides = array<i32>} : memref<512xf32, #tpu.memory_space<vmem>>, vector<16xf32>,
      %swap3A_252 = vector.shape_cast %swap3A_251 : vector<16xf32> to vector<16xf32>
      %swap3A_253 = vector.shape_cast %add3A_249 : vector<16xf32> to vector<16xf32>
      tpu.vector_store %arg16[%swap3A_250], %swap3A_253 {strides = array<i32>} : memref<512xf32, #tpu.memory_space<vmem>>, vector<16xf32>,
    }
    %scan3A_165 = arith.constant 32 : i32
    "tpu.region"() ({
      %run_scoped3A = tpu.sem_alloc : memref<!tpu.dma_semaphore, #tpu.memory_space<semaphore_mem>>
      %dma_start3A_241 = tpu.memref_slice %arg9[%mul3A_2] : memref<16384xf32, #tpu.memory_space<hbm>> -> memref<512xf32, #tpu.memory_space<hbm>>
      %dma_start3A_242 = tpu.memref_slice %arg9[%mul3A_2] : memref<16384xf32, #tpu.memory_space<hbm>> -> memref<512xf32, #tpu.memory_space<hbm>>
      tpu.enqueue_dma source(%arg16 : memref<512xf32, #tpu.memory_space<vmem>>) target(%dma_start3A_242 : memref<512xf32, #tpu.memory_space<hbm>>) target_semaphore(%run_scoped3A : memref<!tpu.dma_semaphore, #tpu.memory_space<semaphore_mem>>)
      %dma_wait3A_243 = tpu.memref_slice %arg9[%mul3A_2] : memref<16384xf32, #tpu.memory_space<hbm>> -> memref<512xf32, #tpu.memory_space<hbm>>
      %dma_wait3A_244 = tpu.memref_slice %arg9[%mul3A_2] : memref<16384xf32, #tpu.memory_space<hbm>> -> memref<512xf32, #tpu.memory_space<hbm>>
      tpu.wait_dma2 semaphore(%run_scoped3A : memref<!tpu.dma_semaphore, #tpu.memory_space<semaphore_mem>>) src(%arg16 : memref<512xf32, #tpu.memory_space<vmem>>) dst(%dma_wait3A_244 : memref<512xf32, #tpu.memory_space<hbm>>)
      tpu.yield
    }) : () -> ()
    %dma_wait3A_166 = arith.constant 0 : i32
    %dma_wait3A_167 = arith.constant 0 : i32
    %dma_wait3A_168 = tpu.memref_slice %arg12[%dma_wait3A_166, %dma_wait3A_167] : memref<512x32xf32, #tpu.memory_space<vmem>> -> memref<128x32xf32, #tpu.memory_space<vmem>>
    %dma_wait3A_169 = arith.constant 0 : i32
    %dma_wait3A_170 = tpu.memref_slice %arg10[%dma_wait3A_169] : memref<512xi32, #tpu.memory_space<vmem>> -> memref<128xi32, #tpu.memory_space<vmem>>
    %dma_wait3A_171 = arith.constant 0 : i32
    %dma_wait3A_172 = arith.constant 0 : i32
    %dma_wait3A_173 = tpu.memref_slice %arg4[%dma_wait3A_171, %dma_wait3A_172] : memref<1000000x32xf32, #tpu.memory_space<hbm>> -> memref<1000000x32xf32, #tpu.memory_space<hbm>>
    tpu.wait_indirect_dma semaphore(%arg18 : memref<!tpu.dma_semaphore, #tpu.memory_space<semaphore_mem>>) src(%dma_wait3A_173 : memref<1000000x32xf32, #tpu.memory_space<hbm>>) dst(%dma_wait3A_168 : memref<128x32xf32, #tpu.memory_space<vmem>>)
    %dma_wait3A_174 = arith.constant 0 : i32
    %dma_wait3A_175 = arith.constant 0 : i32
    %dma_wait3A_176 = tpu.memref_slice %arg13[%dma_wait3A_174, %dma_wait3A_175] : memref<512x32xf32, #tpu.memory_space<vmem>> -> memref<128x32xf32, #tpu.memory_space<vmem>>
    %dma_wait3A_177 = arith.constant 0 : i32
    %dma_wait3A_178 = tpu.memref_slice %arg11[%dma_wait3A_177] : memref<512xi32, #tpu.memory_space<vmem>> -> memref<128xi32, #tpu.memory_space<vmem>>
    %dma_wait3A_179 = arith.constant 0 : i32
    %dma_wait3A_180 = arith.constant 0 : i32
    %dma_wait3A_181 = tpu.memref_slice %arg6[%dma_wait3A_179, %dma_wait3A_180] : memref<1000000x32xf32, #tpu.memory_space<hbm>> -> memref<1000000x32xf32, #tpu.memory_space<hbm>>
    tpu.wait_indirect_dma semaphore(%arg18 : memref<!tpu.dma_semaphore, #tpu.memory_space<semaphore_mem>>) src(%dma_wait3A_181 : memref<1000000x32xf32, #tpu.memory_space<hbm>>) dst(%dma_wait3A_176 : memref<128x32xf32, #tpu.memory_space<vmem>>)
    %dma_wait3A_182 = arith.constant 128 : i32
    %dma_wait3A_183 = arith.constant 0 : i32
    %dma_wait3A_184 = tpu.memref_slice %arg12[%dma_wait3A_182, %dma_wait3A_183] : memref<512x32xf32, #tpu.memory_space<vmem>> -> memref<128x32xf32, #tpu.memory_space<vmem>>
    %dma_wait3A_185 = arith.constant 128 : i32
    %dma_wait3A_186 = tpu.memref_slice %arg10[%dma_wait3A_185] : memref<512xi32, #tpu.memory_space<vmem>> -> memref<128xi32, #tpu.memory_space<vmem>>
    %dma_wait3A_187 = arith.constant 0 : i32
    %dma_wait3A_188 = arith.constant 0 : i32
    %dma_wait3A_189 = tpu.memref_slice %arg4[%dma_wait3A_187, %dma_wait3A_188] : memref<1000000x32xf32, #tpu.memory_space<hbm>> -> memref<1000000x32xf32, #tpu.memory_space<hbm>>
    tpu.wait_indirect_dma semaphore(%arg18 : memref<!tpu.dma_semaphore, #tpu.memory_space<semaphore_mem>>) src(%dma_wait3A_189 : memref<1000000x32xf32, #tpu.memory_space<hbm>>) dst(%dma_wait3A_184 : memref<128x32xf32, #tpu.memory_space<vmem>>)
    %dma_wait3A_190 = arith.constant 128 : i32
    %dma_wait3A_191 = arith.constant 0 : i32
    %dma_wait3A_192 = tpu.memref_slice %arg13[%dma_wait3A_190, %dma_wait3A_191] : memref<512x32xf32, #tpu.memory_space<vmem>> -> memref<128x32xf32, #tpu.memory_space<vmem>>
    %dma_wait3A_193 = arith.constant 128 : i32
    %dma_wait3A_194 = tpu.memref_slice %arg11[%dma_wait3A_193] : memref<512xi32, #tpu.memory_space<vmem>> -> memref<128xi32, #tpu.memory_space<vmem>>
    %dma_wait3A_195 = arith.constant 0 : i32
    %dma_wait3A_196 = arith.constant 0 : i32
    %dma_wait3A_197 = tpu.memref_slice %arg6[%dma_wait3A_195, %dma_wait3A_196] : memref<1000000x32xf32, #tpu.memory_space<hbm>> -> memref<1000000x32xf32, #tpu.memory_space<hbm>>
    tpu.wait_indirect_dma semaphore(%arg18 : memref<!tpu.dma_semaphore, #tpu.memory_space<semaphore_mem>>) src(%dma_wait3A_197 : memref<1000000x32xf32, #tpu.memory_space<hbm>>) dst(%dma_wait3A_192 : memref<128x32xf32, #tpu.memory_space<vmem>>)
    %dma_wait3A_198 = arith.constant 256 : i32
    %dma_wait3A_199 = arith.constant 0 : i32
    %dma_wait3A_200 = tpu.memref_slice %arg12[%dma_wait3A_198, %dma_wait3A_199] : memref<512x32xf32, #tpu.memory_space<vmem>> -> memref<128x32xf32, #tpu.memory_space<vmem>>
    %dma_wait3A_201 = arith.constant 256 : i32
    %dma_wait3A_202 = tpu.memref_slice %arg10[%dma_wait3A_201] : memref<512xi32, #tpu.memory_space<vmem>> -> memref<128xi32, #tpu.memory_space<vmem>>
    %dma_wait3A_203 = arith.constant 0 : i32
    %dma_wait3A_204 = arith.constant 0 : i32
    %dma_wait3A_205 = tpu.memref_slice %arg4[%dma_wait3A_203, %dma_wait3A_204] : memref<1000000x32xf32, #tpu.memory_space<hbm>> -> memref<1000000x32xf32, #tpu.memory_space<hbm>>
    tpu.wait_indirect_dma semaphore(%arg18 : memref<!tpu.dma_semaphore, #tpu.memory_space<semaphore_mem>>) src(%dma_wait3A_205 : memref<1000000x32xf32, #tpu.memory_space<hbm>>) dst(%dma_wait3A_200 : memref<128x32xf32, #tpu.memory_space<vmem>>)
    %dma_wait3A_206 = arith.constant 256 : i32
    %dma_wait3A_207 = arith.constant 0 : i32
    %dma_wait3A_208 = tpu.memref_slice %arg13[%dma_wait3A_206, %dma_wait3A_207] : memref<512x32xf32, #tpu.memory_space<vmem>> -> memref<128x32xf32, #tpu.memory_space<vmem>>
    %dma_wait3A_209 = arith.constant 256 : i32
    %dma_wait3A_210 = tpu.memref_slice %arg11[%dma_wait3A_209] : memref<512xi32, #tpu.memory_space<vmem>> -> memref<128xi32, #tpu.memory_space<vmem>>
    %dma_wait3A_211 = arith.constant 0 : i32
    %dma_wait3A_212 = arith.constant 0 : i32
    %dma_wait3A_213 = tpu.memref_slice %arg6[%dma_wait3A_211, %dma_wait3A_212] : memref<1000000x32xf32, #tpu.memory_space<hbm>> -> memref<1000000x32xf32, #tpu.memory_space<hbm>>
    tpu.wait_indirect_dma semaphore(%arg18 : memref<!tpu.dma_semaphore, #tpu.memory_space<semaphore_mem>>) src(%dma_wait3A_213 : memref<1000000x32xf32, #tpu.memory_space<hbm>>) dst(%dma_wait3A_208 : memref<128x32xf32, #tpu.memory_space<vmem>>)
    %dma_wait3A_214 = arith.constant 384 : i32
    %dma_wait3A_215 = arith.constant 0 : i32
    %dma_wait3A_216 = tpu.memref_slice %arg12[%dma_wait3A_214, %dma_wait3A_215] : memref<512x32xf32, #tpu.memory_space<vmem>> -> memref<128x32xf32, #tpu.memory_space<vmem>>
    %dma_wait3A_217 = arith.constant 384 : i32
    %dma_wait3A_218 = tpu.memref_slice %arg10[%dma_wait3A_217] : memref<512xi32, #tpu.memory_space<vmem>> -> memref<128xi32, #tpu.memory_space<vmem>>
    %dma_wait3A_219 = arith.constant 0 : i32
    %dma_wait3A_220 = arith.constant 0 : i32
    %dma_wait3A_221 = tpu.memref_slice %arg4[%dma_wait3A_219, %dma_wait3A_220] : memref<1000000x32xf32, #tpu.memory_space<hbm>> -> memref<1000000x32xf32, #tpu.memory_space<hbm>>
    tpu.wait_indirect_dma semaphore(%arg18 : memref<!tpu.dma_semaphore, #tpu.memory_space<semaphore_mem>>) src(%dma_wait3A_221 : memref<1000000x32xf32, #tpu.memory_space<hbm>>) dst(%dma_wait3A_216 : memref<128x32xf32, #tpu.memory_space<vmem>>)
    %dma_wait3A_222 = arith.constant 384 : i32
    %dma_wait3A_223 = arith.constant 0 : i32
    %dma_wait3A_224 = tpu.memref_slice %arg13[%dma_wait3A_222, %dma_wait3A_223] : memref<512x32xf32, #tpu.memory_space<vmem>> -> memref<128x32xf32, #tpu.memory_space<vmem>>
    %dma_wait3A_225 = arith.constant 384 : i32
    %dma_wait3A_226 = tpu.memref_slice %arg11[%dma_wait3A_225] : memref<512xi32, #tpu.memory_space<vmem>> -> memref<128xi32, #tpu.memory_space<vmem>>
    %dma_wait3A_227 = arith.constant 0 : i32
    %dma_wait3A_228 = arith.constant 0 : i32
    %dma_wait3A_229 = tpu.memref_slice %arg6[%dma_wait3A_227, %dma_wait3A_228] : memref<1000000x32xf32, #tpu.memory_space<hbm>> -> memref<1000000x32xf32, #tpu.memory_space<hbm>>
    tpu.wait_indirect_dma semaphore(%arg18 : memref<!tpu.dma_semaphore, #tpu.memory_space<semaphore_mem>>) src(%dma_wait3A_229 : memref<1000000x32xf32, #tpu.memory_space<hbm>>) dst(%dma_wait3A_224 : memref<128x32xf32, #tpu.memory_space<vmem>>)
    %broadcast_in_dim3A = arith.constant 0.000000e+00 : f32
    %broadcast_in_dim3A_230 = vector.broadcast %broadcast_in_dim3A : f32 to vector<16xf32>
    %scan3A_231 = arith.constant 0 : i32
    %scan3A_232 = arith.constant 512 : i32
    %scan3A_233 = arith.addi %scan3A_231, %scan3A_232 : i32
    %scan3A_234 = arith.constant 1 : i32
    %scan3A_235:2 = scf.for %scan3A_241 = %scan3A_231 to %scan3A_233 step %scan3A_234 iter_args(%scan3A_242 = %broadcast_in_dim3A_230, %scan3A_243 = %broadcast_in_dim3A_230) -> (vector<16xf32>, vector<16xf32>)  : i32 {
      %get3A = arith.index_cast %scan3A_241 : i32 to index
      %get3A_244 = arith.constant 0 : index
      %get3A_245 = tpu.vector_load %arg12[%get3A, %get3A_244] {strides = array<i32>} : memref<512x32xf32, #tpu.memory_space<vmem>>, vector<1x16xf32>,
      %get3A_246 = vector.shape_cast %get3A_245 : vector<1x16xf32> to vector<16xf32>
      %get3A_247 = arith.index_cast %scan3A_241 : i32 to index
      %get3A_248 = arith.constant 0 : index
      %get3A_249 = tpu.vector_load %arg13[%get3A_247, %get3A_248] {strides = array<i32>} : memref<512x32xf32, #tpu.memory_space<vmem>>, vector<1x16xf32>,
      %get3A_250 = vector.shape_cast %get3A_249 : vector<1x16xf32> to vector<16xf32>
      %mul3A_251 = arith.mulf %get3A_246, %get3A_250 : vector<16xf32>
      %add3A_252 = arith.addf %scan3A_242, %mul3A_251 : vector<16xf32>
      %get3A_253 = arith.index_cast %scan3A_241 : i32 to index
      %get3A_254 = arith.constant 16 : index
      %get3A_255 = tpu.vector_load %arg12[%get3A_253, %get3A_254] {strides = array<i32>} : memref<512x32xf32, #tpu.memory_space<vmem>>, vector<1x16xf32>,
      %get3A_256 = vector.shape_cast %get3A_255 : vector<1x16xf32> to vector<16xf32>
      %get3A_257 = arith.index_cast %scan3A_241 : i32 to index
      %get3A_258 = arith.constant 16 : index
      %get3A_259 = tpu.vector_load %arg13[%get3A_257, %get3A_258] {strides = array<i32>} : memref<512x32xf32, #tpu.memory_space<vmem>>, vector<1x16xf32>,
      %get3A_260 = vector.shape_cast %get3A_259 : vector<1x16xf32> to vector<16xf32>
      %mul3A_261 = arith.mulf %get3A_256, %get3A_260 : vector<16xf32>
      %add3A_262 = arith.addf %scan3A_243, %mul3A_261 : vector<16xf32>
      scf.yield %add3A_252, %add3A_262 : vector<16xf32>, vector<16xf32>
    }
    %scan3A_236 = arith.constant 512 : i32
    %add3A_237 = arith.addf %scan3A_235#0, %scan3A_235#1 : vector<16xf32>
    %swap3A = arith.constant 0 : index
    %swap3A_238 = tpu.vector_load %arg17[%swap3A] {strides = array<i32>} : memref<16xf32, #tpu.memory_space<vmem>>, vector<16xf32>,
    %swap3A_239 = vector.shape_cast %swap3A_238 : vector<16xf32> to vector<16xf32>
    %swap3A_240 = vector.shape_cast %add3A_237 : vector<16xf32> to vector<16xf32>
    tpu.vector_store %arg17[%swap3A], %swap3A_240 {strides = array<i32>} : memref<16xf32, #tpu.memory_space<vmem>>, vector<16xf32>,
    "tpu.region"() ({
      %run_scoped3A = tpu.sem_alloc : memref<!tpu.dma_semaphore, #tpu.memory_space<semaphore_mem>>
      %dma_start3A_241 = arith.constant 0 : i32
      %dma_start3A_242 = tpu.memref_slice %arg8[%add3A, %dma_start3A_241] : memref<32x16xf32, #tpu.memory_space<hbm>> -> memref<1x16xf32, #tpu.memory_space<hbm>>
      %dma_start3A_243 = tpu.memref_squeeze %dma_start3A_242 : memref<1x16xf32, #tpu.memory_space<hbm>> -> memref<16xf32, #tpu.memory_space<hbm>>
      %dma_start3A_244 = arith.constant 0 : i32
      %dma_start3A_245 = tpu.memref_slice %arg8[%add3A, %dma_start3A_244] : memref<32x16xf32, #tpu.memory_space<hbm>> -> memref<1x16xf32, #tpu.memory_space<hbm>>
      %dma_start3A_246 = tpu.memref_squeeze %dma_start3A_245 : memref<1x16xf32, #tpu.memory_space<hbm>> -> memref<16xf32, #tpu.memory_space<hbm>>
      tpu.enqueue_dma source(%arg17 : memref<16xf32, #tpu.memory_space<vmem>>) target(%dma_start3A_246 : memref<16xf32, #tpu.memory_space<hbm>>) target_semaphore(%run_scoped3A : memref<!tpu.dma_semaphore, #tpu.memory_space<semaphore_mem>>)
      %dma_wait3A_247 = arith.constant 0 : i32
      %dma_wait3A_248 = tpu.memref_slice %arg8[%add3A, %dma_wait3A_247] : memref<32x16xf32, #tpu.memory_space<hbm>> -> memref<1x16xf32, #tpu.memory_space<hbm>>
      %dma_wait3A_249 = tpu.memref_squeeze %dma_wait3A_248 : memref<1x16xf32, #tpu.memory_space<hbm>> -> memref<16xf32, #tpu.memory_space<hbm>>
      %dma_wait3A_250 = arith.constant 0 : i32
      %dma_wait3A_251 = tpu.memref_slice %arg8[%add3A, %dma_wait3A_250] : memref<32x16xf32, #tpu.memory_space<hbm>> -> memref<1x16xf32, #tpu.memory_space<hbm>>
      %dma_wait3A_252 = tpu.memref_squeeze %dma_wait3A_251 : memref<1x16xf32, #tpu.memory_space<hbm>> -> memref<16xf32, #tpu.memory_space<hbm>>
      tpu.wait_dma2 semaphore(%run_scoped3A : memref<!tpu.dma_semaphore, #tpu.memory_space<semaphore_mem>>) src(%arg17 : memref<16xf32, #tpu.memory_space<vmem>>) dst(%dma_wait3A_252 : memref<16xf32, #tpu.memory_space<hbm>>)
      tpu.yield
    }) : () -> ()
    return
  }
}

module attributes {stable_mosaic.version = 14 : i64} {
  func.func @_finish_body(%arg0: memref<32x16xf32, #tpu.memory_space<vmem>>, %arg1: memref<128x128xf32, #tpu.memory_space<vmem>>, %arg2: memref<128x128xf32, #tpu.memory_space<vmem>>) attributes {dimension_semantics = [], scalar_prefetch = 0 : i64, scratch_operands = 0 : i64, tpu.core_type = #tpu.core_type<tc>} {
    %get3A = arith.constant 0 : index
    %get3A_0 = arith.constant 0 : index
    %get3A_1 = vector.load %arg0[%get3A, %get3A_0] : memref<32x16xf32, #tpu.memory_space<vmem>>, vector<32x16xf32>
    %reduce_sum3A = vector.shape_cast %get3A_1 : vector<32x16xf32> to vector<1x32x16xf32>
    %reduce_sum3A_2 = arith.constant dense<0.000000e+00> : vector<1xf32>
    %reduce_sum3A_3 = vector.multi_reduction <add>, %reduce_sum3A, %reduce_sum3A_2 [1, 2] : vector<1x32x16xf32> to vector<1xf32>
    %reduce_sum3A_4 = vector.shape_cast %reduce_sum3A_3 : vector<1xf32> to vector<1x1x1xf32>
    %reduce_sum3A_5 = vector.extract %reduce_sum3A_4[0, 0, 0] : f32 from vector<1x1x1xf32>
    %get3A_6 = arith.constant 0 : index
    %get3A_7 = arith.constant 0 : index
    %get3A_8 = vector.load %arg1[%get3A_6, %get3A_7] : memref<128x128xf32, #tpu.memory_space<vmem>>, vector<128x128xf32>
    %add3A = vector.broadcast %reduce_sum3A_5 : f32 to vector<128x128xf32>
    %add3A_9 = arith.addf %get3A_8, %add3A : vector<128x128xf32>
    %logistic3A = arith.negf %add3A_9 : vector<128x128xf32>
    %logistic3A_10 = math.exp %logistic3A : vector<128x128xf32>
    %logistic3A_11 = arith.constant 1.000000e+00 : f32
    %logistic3A_12 = vector.broadcast %logistic3A_11 : f32 to vector<128x128xf32>
    %logistic3A_13 = arith.addf %logistic3A_12, %logistic3A_10 : vector<128x128xf32>
    %logistic3A_14 = arith.divf %logistic3A_12, %logistic3A_13 : vector<128x128xf32>
    %swap3A = arith.constant 0 : index
    %swap3A_15 = arith.constant 0 : index
    %swap3A_16 = vector.load %arg2[%swap3A, %swap3A_15] : memref<128x128xf32, #tpu.memory_space<vmem>>, vector<128x128xf32>
    tpu.vector_store %arg2[%swap3A, %swap3A_15], %logistic3A_14 {strides = array<i32>} : memref<128x128xf32, #tpu.memory_space<vmem>>, vector<128x128xf32>,
    return
  }
}

</mosaic_0001>

<sc_bundles>
// kernel: kernel.4.cloned.1.call-start
scs
__scs_entry_jumppad:
0x0: {  	(pc) =	sbr.rel $0x88, $3  }
0x1: {  	(tag) =	ssettag $0x0;
	lr =	simm.s32 $0x1  }
0x2: {  	[smem:$0x3F9C] =	sst lr;
	_ =	strace $0xD0000000  }
0x3: {  	_ = 	snop  }
0x4: {  	_ = 	snop  }
0x5: {  	_ = 	snop  }
0x6: {  	_ = 	snop  }
0x7: {  	_ = 	snop  }
__scs_overlays_trampoline_lowered:
0x8: {  	[smem:$0x3FAB] =	sst s0  }
0x9: {  	[smem:$0x3FAC] =	sst s1  }
0xa: {  	[smem:$0x3FAD] =	sst s2  }
0xb: {  	[smem:$0x3FAE] =	sst s3  }
0xc: {  	[smem:$0x3FAF] =	sst s4  }
0xd: {  	[smem:$0x3FB0] =	sst s5  }
0xe: {  	[smem:$0x3FB1] =	sst s6  }
0xf: {  	[smem:$0x3FB2] =	sst s7  }
0x10: {  	[smem:$0x3FB3] =	sst s8  }
0x11: {  	[smem:$0x3FB4] =	sst s9;
	s0 =	simm.s32 @!p0 $0x0  }
0x12: {  	s1 =	sld [smem:$0x3F9A];
	s0 =	simm.s32 @p0 $0x1  }
0x13: {  	[smem:$0x3FB5] =	sst s0;
	s0 =	simm.s32 @!p1 $0x0  }
0x14: {  	s2 =	sld [smem:$0x3F99];
	s0 =	simm.s32 @p1 $0x1  }
0x15: {  	[smem:$0x3FB6] =	sst s0;
	s0 =	simm.s32 @!p2 $0x0  }
0x16: {  	s3 =	sld [smem:$0x3FDB];
	s0 =	simm.s32 @p2 $0x1  }
0x17: {  	s4 =	simm.s32 $0x1BF5;
	[smem:$0x3FB8] =	sst s0  }
0x18: {  	s0 =	sld [smem:$0x3F9B];
	_ =	swait.ge [sflag:s4], $0x0  }
0x19: {  	s7 =	sld [smem:$0x3F9C]  }
0x1a: {  	s8 =	sadd.s32 $0xFFFFE003, lr  }
0x1b: {  	s9 =	sadd.s32 $0xFFFFFEF7, lr;
	s5 =	simm.s32 $0xFFFFFFFF;
	p2 =	slt.u32 s8, $0xFFFFF086  }
0x1c: {  	p1 =	slt.u32 s9, $0xF7A;
	s5 =	simm.s32 @!p2 $0x0  }
0x1d: {  	s5 =	simm.s32 @p1 $0x1;
	p0 =	seq.s32 s7, s2  }
0x1e: {  	s7 =	smul.u32 @!p0 $0xF7A, s2;
	p2 =	seq.s32 @!p0 s5, $0x0  }
0x1f: {  	s9 =	smul.u32 $0xF7A, s1;
	s8 =	simm.s32 @!p0 $0x1BF5;
	p2 =	por !p2, p0  }
0x20: {  	[sflag:s8] =	ssyncset.s32 @!p0 $0xFFFFF086;
	s6 =	sadd.s32 @!p0 s3, s7;
	s7 =	simm.s32 @!p0 $0x108  }
0x21: {  	s3 =	sadd.s32 s3, s9;
	s6 =	sadd.s32 @!p0 $0x88, s6;
	s7 =	simm.s32 @p2 $0x1082  }
0x22: {  	[simem:s7], [sflag:s8] =	dma.local @!p0 [hbm:s6], $0xF7A  }
0x23: {  	s9 =	sor.u32 $0xD0000000, s2;
	s6 =	simm.s32 $0x108;
	_ =	swait.ge @!p0 [sflag:s8], $0x0  }
0x24: {  	s3 =	sadd.s32 $0x88, s3;
	s6 =	simm.s32 @!p1 $0x1082;
	[sflag:s4] =	ssyncset.s32 $0xFFFFF086  }
0x25: {  	[simem:s6], [sflag:s4] =	dma.local [hbm:s3], $0xF7A  }
0x26: {  	[smem:$0x3F9C] =	sst s1;
	(tag) =	ssettag s2;
	_ =	strace s9  }
0x27: {  	s1 =	sld [smem:$0x3FAC]  }
0x28: {  	s2 =	sld [smem:$0x3FAD]  }
0x29: {  	s4 =	sld [smem:$0x3FAF]  }
0x2a: {  	p0 =	seq.s32 s5, $0x0;
	s5 =	sld [smem:$0x3FB0]  }
0x2b: {  	s6 =	sld [smem:$0x3FB1]  }
0x2c: {  	s7 =	sld [smem:$0x3FB2]  }
0x2d: {  	s3 =	simm.s32 $0x108;
	s8 =	sld [smem:$0x3FB3]  }
0x2e: {  	s3 =	simm.s32 @!p0 $0x1082;
	s9 =	sld [smem:$0x3FB4]  }
0x2f: {  	lr =	sadd.s32 s0, s3;
	s0 =	sld [smem:$0x3FAB]  }
0x30: {  	s3 =	sld [smem:$0x3FAE]  }
0x31: {  	[smem:$0x3FB7] =	sst s10  }
0x32: {  	s10 =	sld [smem:$0x3FB5];
	_ =	sdelay $0x3  }
0x33: {  	p0 =	seq.s32 s10, $0x1;
	s10 =	sld [smem:$0x3FB7];
	_ =	sdelay $0x3  }
0x34: {  	[smem:$0x3FB7] =	sst s10  }
0x35: {  	s10 =	sld [smem:$0x3FB6];
	_ =	sdelay $0x3  }
0x36: {  	p1 =	seq.s32 s10, $0x1;
	s10 =	sld [smem:$0x3FB7];
	_ =	sdelay $0x3  }
0x37: {  	[smem:$0x3FB7] =	sst s10  }
0x38: {  	s10 =	sld [smem:$0x3FB8]  }
0x39: {  	_ = 	snop;
	(pc) =	sbr.ind lr, $3  }
0x3a: {  	_ = 	snop  }
0x3b: {  	_ = 	snop  }
0x3c: {  	p2 =	seq.s32 s10, $0x1;
	s10 =	sld [smem:$0x3FB7]  }
0x3d: {  	_ =	shalt  }
0x3e: {  	_ =	shalt  }
0x3f: {  	_ =	shalt  }
0x40: {  	_ =	shalt  }
0x41: {  	_ =	shalt  }
0x42: {  	_ =	shalt  }
0x43: {  	_ =	shalt  }
0x44: {  	_ =	shalt  }
0x45: {  	_ =	shalt  }
0x46: {  	_ =	shalt  }
0x47: {  	_ =	shalt  }
0x48: {  	_ =	shalt  }
0x49: {  	_ =	shalt  }
0x4a: {  	_ =	shalt  }
0x4b: {  	_ =	shalt  }
0x4c: {  	_ =	shalt  }
0x4d: {  	_ =	shalt  }
0x4e: {  	_ =	shalt  }
0x4f: {  	_ =	shalt  }
0x50: {  	_ =	shalt  }
0x51: {  	_ =	shalt  }
0x52: {  	_ =	shalt  }
0x53: {  	_ =	shalt  }
0x54: {  	_ =	shalt  }
0x55: {  	_ =	shalt  }
0x56: {  	_ =	shalt  }
0x57: {  	_ =	shalt  }
0x58: {  	_ =	shalt  }
0x59: {  	_ =	shalt  }
0x5a: {  	_ =	shalt  }
0x5b: {  	_ =	shalt  }
0x5c: {  	_ =	shalt  }
0x5d: {  	_ =	shalt  }
0x5e: {  	_ =	shalt  }
0x5f: {  	_ =	shalt  }
0x60: {  	_ =	shalt  }
0x61: {  	_ =	shalt  }
0x62: {  	_ =	shalt  }
0x63: {  	_ =	shalt  }
0x64: {  	_ =	shalt  }
0x65: {  	_ =	shalt  }
0x66: {  	_ =	shalt  }
0x67: {  	_ =	shalt  }
0x68: {  	_ =	shalt  }
0x69: {  	_ =	shalt  }
0x6a: {  	_ =	shalt  }
0x6b: {  	_ =	shalt  }
0x6c: {  	_ =	shalt  }
0x6d: {  	_ =	shalt  }
0x6e: {  	_ =	shalt  }
0x6f: {  	_ =	shalt  }
0x70: {  	_ =	shalt  }
0x71: {  	_ =	shalt  }
0x72: {  	_ =	shalt  }
0x73: {  	_ =	shalt  }
0x74: {  	_ =	shalt  }
0x75: {  	_ =	shalt  }
0x76: {  	_ =	shalt  }
0x77: {  	_ =	shalt  }
0x78: {  	_ =	shalt  }
0x79: {  	_ =	shalt  }
0x7a: {  	_ =	shalt  }
0x7b: {  	_ =	shalt  }
0x7c: {  	_ =	shalt  }
0x7d: {  	_ =	shalt  }
0x7e: {  	_ =	shalt  }
0x7f: {  	_ =	shalt  }
0x80: {  	_ =	shalt  }
0x81: {  	_ =	shalt  }
0x82: {  	_ =	shalt  }
0x83: {  	_ =	shalt  }
0x84: {  	_ =	shalt  }
0x85: {  	_ =	shalt  }
0x86: {  	_ =	shalt  }
0x87: {  	_ =	shalt  }
.Lfunc_end0:
.L_simem_size_0:
called_computation_lowered:
.L_overlay_start_0:
0x88: {  	s2 =	sld [smem:$0x3FD9]  }
0x89: {  	s3 =	sld [smem:$0x3FFE];
	_ =	sdelay $0x1  }
0x8a: {  	s1 =	srdreg.scid  }
0x8b: {  	s0 =	sand.u32 $0x1, s1  }
0x8c: {  	s17 =	sshll.u32 s0, $0xA;
	s2 =	sadd.s32 s3, s2  }
0x8d: {  	s2 =	sadd.s32 s2, s17  }
0x8e: {  	[smem:$0x3FC3] =	sst s2  }
0x8f: {  	_ = 	snop  }
0x90: {  	s2 =	sld [smem:$0x3FD0];
	(tm) =	ssettm $0x1  }
0x91: {  	s18 =	sld [smem:$0x3FFB];
	_ =	sdelay $0x3  }
0x92: {  	_ =	strace s18  }
0x93: {  	s3 =	sld [smem:$0x3FFC];
	_ =	sdelay $0x3  }
0x94: {  	_ =	strace s3  }
0x95: {  	s3 =	sld [smem:$0x3FFD];
	_ =	sdelay $0x3  }
0x96: {  	_ =	strace s3  }
0x97: {  	_ =	strace $0x8FFFFFFF  }
0x98: {  	s19 =	sld [smem:$0x3FDB];
	_ =	sdelay $0x1  }
0x99: {  	s4 =	simm.s32 $_scs_section_size  }
0x9a: {  	s5 =	simm.s32 $_size__tile_overlayer_lowered;
	s6 =	simm.s32 $_tile_overlayer_lowered  }
0x9b: {  	s22 =	simm.s32 $0x1BFF;
	s21 =	sshll.u32 s6, $0x1;
	s3 =	sadd.s32 s4, s19  }
0x9c: {  	s7 =	simm.s32 $0x0;
	s20 =	sshll.u32 s5, $0x1;
	s5 =	sadd.s32 s21, s3  }
0x9d: {  	[timem:s7], [sflag:s22] =	dma.local [hbm:s5], s20  }
0x9e: {  	_ =	swait.ge [sflag:s22], s20  }
0x9f: {  	s4 =	ssub.s32 $0x0, s20;
	[sflag:s22] =	ssyncset.done $0x0  }
0xa0: {  	[sflag:s22] =	ssyncadd.s32 s4;
	_ =	sdelay $0x1  }
0xa1: {  	s23 =	simm.s32 $0x1B8B  }
0xa2: {  	_ =	swait.ge [sflag:s23], $0x1  }
0xa3: {  	[sflag:s23] =	ssyncset.done $0x0  }
0xa4: {  	s25 =	simm.s32 $0x1B8E;
	s24 =	sld [smem:$0x3FFE];
	[sflag:s23] =	ssyncadd.s32 $0xFFFFFFFF  }
0xa5: {  	s26 =	simm.s32 $execute0_lowered;
	[smem:$0x3FD2] =	sst s25  }
0xa6: {  	s5 =	sshll.u32 s26, $0x1;
	_ =	strace $0x80000046;
	[dreg:$0x1] =	wrdreg $0xFFFFFFFF  }
0xa7: {  	s28 =	simm.s32 $_size_execute0_lowered;
	s3 =	sadd.s32 s3, s5;
	[dreg:$0x0] =	wrdreg $0x0  }
0xa8: {  	s5 =	sshll.u32 s28, $0x1;
	[dreg:$0x2] =	wrdreg s3  }
0xa9: {  	[dreg:$0x3] =	wrdreg s5  }
0xaa: {  	[dreg:$0x4] =	wrdreg $0xC0  }
0xab: {  	_ =	task [dreg:s7], $0x5FFFF  }
0xac: {  	[dreg:$0x1] =	wrdreg $0xFFFFFFFF  }
0xad: {  	[dreg:$0x0] =	wrdreg $0x60  }
0xae: {  	[dreg:$0x2] =	wrdreg s24  }
0xaf: {  	[dreg:$0x3] =	wrdreg s2  }
0xb0: {  	[dreg:$0x4] =	wrdreg $0x9  }
0xb1: {  	_ =	task.clear_ibuf [dreg:s7], $0x5FFFF;
	_ =	strace $0x90000046  }
0xb2: {  	s29 =	simm.s32 $0x9;
	_ =	strace $0x80000048  }
0xb3: {  	_ =	swait.ge [sflag:s29], $0x1  }
0xb4: {  	[sflag:s29] =	ssyncadd.s32 $0xFFFFFFFF  }
0xb5: {  	_ =	strace $0x90000048  }
0xb6: {  	_ =	sfence  }
0xb7: {  	s30 =	sld [smem:$0x0];
	_ =	sdelay $0x2  }
0xb8: {  	s31 =	sshll.u32 s1, $0xD;
	s1 =	sshrl.u32 s1, $0x2  }
0xb9: {  	s3 =	sand.u32 $0x4000, s31;
	s1 =	sadd.s32 s1, s30  }
0xba: {  	s0 =	sor.u32 s3, s0;
	s1 =	sshll.u32 s1, $0x11  }
0xbb: {  	s0 =	sor.u32 s1, s0  }
0xbc: {  	s0 =	sadd.s32 $0x8F2B, s0  }
0xbd: {  	[sflag:s0] =	ssyncadd.remote.s32 $0x1  }
0xbe: {  	_ =	sfence.sel $0xFFFF  }
0xbf: {  	[dreg:$0x0] =	wrdreg $0xFFFFFFFF;
	(pc) =	sbr.abs _section_cstart, $3  }
0xc0: {  	[dreg:$0x1] =	wrdreg $0xFFFFFFFF  }
0xc1: {  	_ =	task.clear_ibuf [dreg:s7], $0x2FFFF;
	_ =	strace $0x9FFFFFFF  }
0xc2: {  	(tm) =	ssettm $0x7FFFFFFF  }
0xc3: {  	_ =	shalt  }
tec
execute0_lowered:
.L_overlay_start_1:
0x0: {  	(tag) =	ssettag $0x1  }
0x1: {  	s0 =	rddreg [dreg:$0x0]  }
0x2: {  	s2 =	rddreg [dreg:$0x1]  }
0x3: {  	s1 =	simm.s32 $0x0;
	s6 =	srdreg.scid;
	s8 =	stileid.u32  }
0x4: {  	s13 =	simm.s32 $0x200;
	s14 =	simm.s32 $0x80;
	s20 =	simm.s32 $0x280  }
0x5: {  	s24 =	simm.s32 $0x100;
	s26 =	simm.s32 $0x300;
	s29 =	simm.s32 $0x8500  }
0x6: {  	s30 =	simm.s32 $0x8700;
	s31 =	simm.s32 $0x180;
	s15 =	simm.s32 $0x7400  }
0x7: {  	s16 =	simm.s32 $0x8580;
	s17 =	simm.s32 $0x8780;
	s18 =	simm.s32 $0x1  }
0x8: {  	s19 =	simm.s32 $0x8800;
	s21 =	simm.s32 $0x8A00;
	s22 =	simm.s32 $0x0  }
0x9: {  	[smem:$0x7FF] =	sst s1;
	s3 =	sadd.s32 $0x1313C00, s0;
	s4 =	sadd.s32 $0x1F800, s0  }
0xa: {  	s5 =	sadd.s32 $0xF43200, s0;
	s7 =	sand.u32 $0x1, s6;
	s8 =	sshll.u32 s8, $0x1  }
0xb: {  	s6 =	sadd.s32 $0xE00, s0;
	_ =	strace $0x80000047;
	s8 =	sor.u32 s7, s8  }
0xc: {  	s7 =	ssub.s32 $0x2, s7;
	s9 =	sshll.u32 s8, $0x1;
	s8 =	sshll.u32 s8, $0x6  }
0xd: {  	s10 =	sshrl.u32 s7, $0x1;
	s11 =	sadd.s32 s9, s0;
	s0 =	sadd.s32 s8, s0  }
0xe: {  	s12 =	ssub.s32 s7, s10;
	s8 =	sadd.s32 s2, s8;
	s2 =	simm.s32 $0x380  }
0xf: {  	s7 =	sadd.s32 $0x600, s0;
	s9 =	sadd.s32 $0x3E400, s0;
	s10 =	sadd.s32 $0x3E200, s11  }
0x10: {  	s11 =	smax.u32 s12, $0x1;
	s12 =	simm.s32 $0x2;
	s0 =	simm.s32 $0x3400  }
.LBB2_1:
0x11: {  	[tilespmem:s1], [sflag:$0x2] =	stream.linear.gather [hbm4b:s7+s1], $0x200, $0x38;
	[tilespmem:$0x8A10] =	vst v63  }
0x12: {  	_ =	swait.ge [sflag:s12], $0x200  }
0x13: {  	[sflag:s12] =	ssyncset.done $0x0  }
0x14: {  	[sflag:s12] =	ssyncadd.s32 $0xFFFFFE00  }
0x15: {  	[tilespmem:s13], [sflag:$0x2] =	stream.linear.gather [hbm4b:s8+s1], $0x200, $0x38;
	[tilespmem:$0x8A10] =	vst v63  }
0x16: {  	_ =	swait.ge [sflag:s12], $0x200  }
0x17: {  	[sflag:s12] =	ssyncset.done $0x0  }
0x18: {  	s23 =	simm.s32 $0x400;
	[sflag:s12] =	ssyncadd.s32 $0xFFFFFE00  }
0x19: {  	[tilespmem:s23], [sflag:$0x1] =	stream.indirect.gather [hbm4b:s3+s14], $0x20, s1, s14, $0xb8;
	[tilespmem:$0x8A10] =	vst v63  }
0x1a: {  	s28 =	simm.s32 $0x4400  }
0x1b: {  	[tilespmem:s28], [sflag:$0x1] =	stream.indirect.gather [hbm4b:s5+s14], $0x20, s13, s14, $0xb8;
	[tilespmem:$0x8A10] =	vst v63  }
0x1c: {  	s25 =	simm.s32 $0x8400  }
0x1d: {  	[tilespmem:s25], [sflag:$0x1] =	stream.indirect.gather [hbm4b:s4+s14], $0x1, s1, s14, $0xb8;
	[tilespmem:$0x8A10] =	vst v63  }
0x1e: {  	s28 =	simm.s32 $0x8600  }
0x1f: {  	[tilespmem:s28], [sflag:$0x1] =	stream.indirect.gather [hbm4b:s6+s14], $0x1, s13, s14, $0xb8;
	[tilespmem:$0x8A10] =	vst v63  }
0x20: {  	s25 =	simm.s32 $0x1400  }
0x21: {  	[tilespmem:s25], [sflag:$0x1] =	stream.indirect.gather [hbm4b:s3+s14], $0x20, s14, s14, $0xb8;
	[tilespmem:$0x8A10] =	vst v63  }
0x22: {  	s28 =	simm.s32 $0x5400  }
0x23: {  	[tilespmem:s28], [sflag:$0x1] =	stream.indirect.gather [hbm4b:s5+s14], $0x20, s20, s14, $0xb8;
	[tilespmem:$0x8A10] =	vst v63  }
0x24: {  	s25 =	simm.s32 $0x8480  }
0x25: {  	[tilespmem:s25], [sflag:$0x1] =	stream.indirect.gather [hbm4b:s4+s14], $0x1, s14, s14, $0xb8;
	[tilespmem:$0x8A10] =	vst v63  }
0x26: {  	s28 =	simm.s32 $0x8680  }
0x27: {  	[tilespmem:s28], [sflag:$0x1] =	stream.indirect.gather [hbm4b:s6+s14], $0x1, s20, s14, $0xb8;
	[tilespmem:$0x8A10] =	vst v63  }
0x28: {  	s25 =	simm.s32 $0x2400  }
0x29: {  	[tilespmem:s25], [sflag:$0x1] =	stream.indirect.gather [hbm4b:s3+s14], $0x20, s24, s14, $0xb8;
	[tilespmem:$0x8A10] =	vst v63  }
0x2a: {  	s28 =	simm.s32 $0x6400  }
0x2b: {  	[tilespmem:s28], [sflag:$0x1] =	stream.indirect.gather [hbm4b:s5+s14], $0x20, s26, s14, $0xb8;
	[tilespmem:$0x8A10] =	vst v63  }
0x2c: {  	_ = 	snop  }
0x2d: {  	[tilespmem:s29], [sflag:$0x1] =	stream.indirect.gather [hbm4b:s4+s14], $0x1, s24, s14, $0xb8;
	[tilespmem:$0x8A10] =	vst v63  }
0x2e: {  	_ = 	snop  }
0x2f: {  	[tilespmem:s30], [sflag:$0x1] =	stream.indirect.gather [hbm4b:s6+s14], $0x1, s26, s14, $0xb8;
	[tilespmem:$0x8A10] =	vst v63  }
0x30: {  	_ = 	snop  }
0x31: {  	[tilespmem:s0], [sflag:$0x1] =	stream.indirect.gather [hbm4b:s3+s14], $0x20, s31, s14, $0xb8;
	[tilespmem:$0x8A10] =	vst v63  }
0x32: {  	_ = 	snop  }
0x33: {  	[tilespmem:s15], [sflag:$0x1] =	stream.indirect.gather [hbm4b:s5+s14], $0x20, s2, s14, $0xb8;
	[tilespmem:$0x8A10] =	vst v63  }
0x34: {  	_ = 	snop  }
0x35: {  	[tilespmem:s16], [sflag:$0x1] =	stream.indirect.gather [hbm4b:s4+s14], $0x1, s31, s14, $0xb8;
	[tilespmem:$0x8A10] =	vst v63  }
0x36: {  	_ = 	snop  }
0x37: {  	[tilespmem:s17], [sflag:$0x1] =	stream.indirect.gather [hbm4b:s6+s14], $0x1, s2, s14, $0xb8;
	[tilespmem:$0x8A10] =	vst v63  }
0x38: {  	_ =	swait.ge [sflag:s18], $0x80  }
0x39: {  	[sflag:s18] =	ssyncset.done $0x0  }
0x3a: {  	[sflag:s18] =	ssyncadd.s32 $0xFFFFFF80  }
0x3b: {  	_ =	swait.ge [sflag:s18], $0x80  }
0x3c: {  	[sflag:s18] =	ssyncset.done $0x0  }
0x3d: {  	[sflag:s18] =	ssyncadd.s32 $0xFFFFFF80  }
0x3e: {  	_ =	swait.ge [sflag:s18], $0x80  }
0x3f: {  	[sflag:s18] =	ssyncset.done $0x0  }
0x40: {  	[sflag:s18] =	ssyncadd.s32 $0xFFFFFF80  }
0x41: {  	_ =	swait.ge [sflag:s18], $0x80  }
0x42: {  	[sflag:s18] =	ssyncset.done $0x0  }
0x43: {  	[sflag:s18] =	ssyncadd.s32 $0xFFFFFF80  }
0x44: {  	_ =	swait.ge [sflag:s18], $0x80  }
0x45: {  	[sflag:s18] =	ssyncset.done $0x0  }
0x46: {  	[sflag:s18] =	ssyncadd.s32 $0xFFFFFF80  }
0x47: {  	_ =	swait.ge [sflag:s18], $0x80  }
0x48: {  	[sflag:s18] =	ssyncset.done $0x0  }
0x49: {  	[sflag:s18] =	ssyncadd.s32 $0xFFFFFF80  }
0x4a: {  	_ =	swait.ge [sflag:s18], $0x80  }
0x4b: {  	[sflag:s18] =	ssyncset.done $0x0  }
0x4c: {  	[sflag:s18] =	ssyncadd.s32 $0xFFFFFF80  }
0x4d: {  	_ =	swait.ge [sflag:s18], $0x80  }
0x4e: {  	[sflag:s18] =	ssyncset.done $0x0  }
0x4f: {  	s23 =	simm.s32 $0x0;
	[sflag:s18] =	ssyncadd.s32 $0xFFFFFF80  }
0x50: {  	v0 =	vld [tilespmem:s23+$0x8400]  }
0x51: {  	s25 =	simm.s32 $0x40;
	v1 =	vld [tilespmem:s23+$0x8600]  }
.LBB2_2:
0x52: {  	_ = 	snop  }
0x53: {  	p0 =	sne.s32 s25, $0x7C0  }
.Ltmp0:
0x54: {  	_ = 	snop;
	(pc) =	sbr.rel @p0 .LBB2_2-.Ltmp0, $4  }
0x55: {  	_ = 	snop  }
0x56: {  	s28 =	sshra.s32 s25, $0x2;
	v2 =	vadd.f32 v1, v0  }
0x57: {  	v0 =	vld [tilespmem:s28+$0x8400]  }
0x58: {  	s25 =	sadd.s32 $0x40, s25;
	v1 =	vld [tilespmem:s28+$0x8600];
	[tilespmem:s23+$0x8800] =	vst v2;
	s23 =	smov.u32 s28  }
0x59: {  	_ =	sdelay $0x3  }
0x5a: {  	v0 =	vadd.f32 v1, v0;
	_ =	sdelay $0x1  }
0x5b: {  	s28 =	simm.s32 $0x0;
	[tilespmem:s23+$0x8800] =	vst v0  }
0x5c: {  	[hbm4b:s9+s28] =	stream.linear.scatter [tilespmem:s19], [sflag:$0x2], $0x200, $0x38;
	[tilespmem:$0x8A10] =	vst v63  }
0x5d: {  	_ =	swait.ge [sflag:s12], $0x200  }
0x5e: {  	[sflag:s12] =	ssyncset.done $0x0  }
0x5f: {  	[sflag:s12] =	ssyncadd.s32 $0xFFFFFE00  }
0x60: {  	_ =	swait.ge [sflag:s18], $0x1000  }
0x61: {  	[sflag:s18] =	ssyncset.done $0x0  }
0x62: {  	[sflag:s18] =	ssyncadd.s32 $0xFFFFF000  }
0x63: {  	_ =	swait.ge [sflag:s18], $0x1000  }
0x64: {  	[sflag:s18] =	ssyncset.done $0x0  }
0x65: {  	[sflag:s18] =	ssyncadd.s32 $0xFFFFF000  }
0x66: {  	_ =	swait.ge [sflag:s18], $0x1000  }
0x67: {  	[sflag:s18] =	ssyncset.done $0x0  }
0x68: {  	[sflag:s18] =	ssyncadd.s32 $0xFFFFF000  }
0x69: {  	_ =	swait.ge [sflag:s18], $0x1000  }
0x6a: {  	[sflag:s18] =	ssyncset.done $0x0  }
0x6b: {  	[sflag:s18] =	ssyncadd.s32 $0xFFFFF000  }
0x6c: {  	_ =	swait.ge [sflag:s18], $0x1000  }
0x6d: {  	[sflag:s18] =	ssyncset.done $0x0  }
0x6e: {  	[sflag:s18] =	ssyncadd.s32 $0xFFFFF000  }
0x6f: {  	_ =	swait.ge [sflag:s18], $0x1000  }
0x70: {  	[sflag:s18] =	ssyncset.done $0x0  }
0x71: {  	[sflag:s18] =	ssyncadd.s32 $0xFFFFF000  }
0x72: {  	_ =	swait.ge [sflag:s18], $0x1000  }
0x73: {  	[sflag:s18] =	ssyncset.done $0x0  }
0x74: {  	[sflag:s18] =	ssyncadd.s32 $0xFFFFF000  }
0x75: {  	_ =	swait.ge [sflag:s18], $0x1000  }
0x76: {  	[sflag:s18] =	ssyncset.done $0x0  }
0x77: {  	s25 =	simm.s32 $0x0;
	[sflag:s18] =	ssyncadd.s32 $0xFFFFF000  }
0x78: {  	v0 =	vld [tilespmem:s25+$0x410]  }
0x79: {  	v4 =	vld [tilespmem:s25+$0x4410]  }
0x7a: {  	v2 =	vld [tilespmem:s25+$0x400]  }
0x7b: {  	v5 =	vld [tilespmem:s25+$0x4400]  }
0x7c: {  	v3 =	vimm.f32 $0.0e+00;
	v1 =	vimm.f32 $0.0e+00;
	s23 =	simm.s32 $0x80  }
.LBB2_4:
0x7d: {  	s25 =	sshra.s32 s23, $0x2;
	p0 =	sne.s32 s23, $0xFF80  }
.Ltmp1:
0x7e: {  	s23 =	sadd.s32 $0x80, s23;
	v6 =	vmul.f32 v4, v0;
	v0 =	vld [tilespmem:s25+$0x410];
	(pc) =	sbr.rel @p0 .LBB2_4-.Ltmp1, $4  }
0x7f: {  	v4 =	vld [tilespmem:s25+$0x4410]  }
0x80: {  	v7 =	vmul.f32 v5, v2;
	v2 =	vld [tilespmem:s25+$0x400];
	v1 =	vadd.f32 v6, v1  }
0x81: {  	v5 =	vld [tilespmem:s25+$0x4400]  }
0x82: {  	v3 =	vadd.f32 v7, v3  }
0x83: {  	_ =	sdelay $0x2  }
0x84: {  	v0 =	vmul.f32 v4, v0;
	v2 =	vmul.f32 v5, v2;
	_ =	sdelay $0x1  }
0x85: {  	v0 =	vadd.f32 v0, v1;
	v63 =	vadd.f32 v2, v3;
	_ =	sdelay $0x1  }
0x86: {  	s22 =	sadd.s32 $0x1, s22;
	v0 =	vadd.f32 v0, v63  }
0x87: {  	p0 =	sne.s32 s22, s11  }
.Ltmp2:
0x88: {  	[tilespmem:$0x8A00] =	vst v0;
	(pc) =	sbr.rel @p0 .LBB2_1-.Ltmp2, $4  }
0x89: {  	[hbm4b:s10+s1] =	stream.linear.scatter [tilespmem:s21], [sflag:$0x2], $0x10, $0x38;
	[tilespmem:$0x8A10] =	vst v63  }
0x8a: {  	_ =	swait.ge [sflag:s12], $0x10  }
0x8b: {  	[sflag:s12] =	ssyncset.done $0x0  }
0x8c: {  	[sflag:s12] =	ssyncadd.s32 $0xFFFFFFF0  }
0x8d: {  	_ =	sfence.sel $0x180000  }
0x8e: {  	[bflag:$0x0] =	sbarrier.arrive $0xFFFF  }
0x8f: {  	_ =	strace $0x90000047  }
0x90: {  	s0 =	stileid.u32;
	[bflag:$0x2] =	sbarrier.arrive $0xFFFF  }
0x91: {  	p0 =	sne.s32 s0, $0x0;
	s0 =	rddreg [dreg:$0x2]  }
0x92: {  	s0 =	sadd.s32 @!p0 $0x100000, s0  }
0x93: {  	[sflag:s0] =	ssyncadd.tile.s32 @!p0 $0x1;
	_ =	shalt  }
.Lfunc_end2:
_tile_overlayer_lowered:
.L_overlay_start_2:
0x94: {  	(tag) =	ssettag $0x2  }
0x95: {  	s0 =	rddreg [dreg:$0x0];
	s2 =	stileid.u32  }
0x96: {  	s1 =	rddreg [dreg:$0x1];
	p0 =	sne.s32 s2, $0x0  }
0x97: {  	s3 =	rddreg [dreg:$0x2];
	[bflag:$0x3] =	sbarrier.arrive $0xFFFF;
	s2 =	simm.s32 @!p0 $0x1C02  }
0x98: {  	[timem:s3], [sflag:s2] =	dma.local @!p0 [hbm:s0], s1  }
0x99: {  	s0 =	simm.s32 @!p0 $0x2  }
0x9a: {  	_ =	swait.ge @!p0 [sflag:s0], s1  }
0x9b: {  	s1 =	ssub.s32 @!p0 $0x0, s1;
	[sflag:s0] =	ssyncset.done @!p0 $0x0  }
0x9c: {  	[sflag:s0] =	ssyncadd.s32 @!p0 s1  }
0x9d: {  	[bflag:$0x3] =	sbarrier.arrive $0xFFFF  }
0x9e: {  	_ =	shalt  }

</sc_bundles>
